<compile_context>
chip_gen: v7x
topology: tpu7x:2x2x1
jax: 0.10.2.dev20260603
libtpu: 0.0.44.dev20260713+nightly
codegen_flags: <defaults>
</compile_context>

<pallas_src>
import functools

import jax
import jax.numpy as jnp
from jax import lax
from jax.experimental import pallas as pl
from jax.experimental.pallas import tpu as pltpu
from jax.experimental.pallas import tpu_sc as plsc

NIN = 10
NOUT = 128
NDISC = 3
NHID = NDISC ** NIN
BATCH = 1024

NC = 2
NS = 16
NW = NC * NS
B_PER_W = BATCH // NW
L = 16

_POW3 = [NDISC ** i for i in range(NIN)]

_mesh = plsc.VectorSubcoreMesh(
    core_axis_name="c", subcore_axis_name="s", num_cores=NC, num_subcores=NS
)


@functools.partial(
    pl.kernel,
    out_type=jax.ShapeDtypeStruct((BATCH, NOUT), jnp.float32),
    mesh=_mesh,
    scratch_types=[
        pltpu.VMEM((NIN * B_PER_W,), jnp.float32),
        pltpu.VMEM((B_PER_W,), jnp.int32),
        pltpu.VMEM((B_PER_W, NOUT), jnp.float32),
        pltpu.SemaphoreType.DMA,
    ],
)
def _sc_lookup(xr_hbm, WT_hbm, out_hbm, xv, idx_v, rows_v, sem):
    wid = lax.axis_index("s") * NC + lax.axis_index("c")
    base = wid * B_PER_W
    pltpu.sync_copy(xr_hbm.at[pl.ds(wid * (NIN * B_PER_W), NIN * B_PER_W)], xv)
    neg = jnp.full((L,), -0.1, jnp.float32)
    pos = jnp.full((L,), 0.1, jnp.float32)
    for ch in range(B_PER_W // L):
        acc = jnp.zeros((L,), jnp.int32)
        for i in range(NIN):
            v = xv[pl.ds(i * B_PER_W + ch * L, L)]
            p3 = jnp.full((L,), _POW3[i], jnp.int32)
            zero = jnp.zeros((L,), jnp.int32)
            d = jnp.where(v > neg, p3, zero) + jnp.where(v > pos, p3, zero)
            acc = acc + d
        idx_v[pl.ds(ch * L, L)] = acc
    pltpu.async_copy(WT_hbm.at[idx_v], rows_v, sem).wait()
    pltpu.sync_copy(rows_v, out_hbm.at[pl.ds(base, B_PER_W)])


def kernel(x, W):
    xr = x.reshape(NW, B_PER_W, NIN).transpose(0, 2, 1).reshape(-1)
    WT = W.T
    return _sc_lookup(xr, WT)

# --- scband reference (transcript-rebuilt; emitter-appended) ---
"""Pipeline reference for scband-net-cont-pdg-d-28157805592649 (READ-ONLY COPY).

The authoritative reference and input builder live on the scoring server;
editing this copy changes nothing except your own understanding.
"""

import jax, jax.numpy as jnp
import numpy as np

NIN = 10
NOUT = 128
NDISC = 3
NHID = NDISC ** NIN  # 59049
BATCH = 1024


def setup_inputs(seed: int = 0) -> dict:
    key = jax.random.key(seed)
    k1, k2 = jax.random.split(key)
    x = jax.random.normal(k1, (BATCH, NIN), dtype=jnp.float32)
    # fc_mu.weight: shape [nout, n_hidden], init normal(mean=0.3, std=0.1)
    W = 0.3 + 0.1 * jax.random.normal(k2, (NOUT, NHID), dtype=jnp.float32)
    return {"x": x, "W": W}


def reference(x, W):
    # disc bounds and positional base-3 integer encoding (constants from __init__)
    disc_bounds = jnp.array([-0.1, 0.1], dtype=jnp.float32)
    dvec2int = jnp.array([NDISC ** i for i in range(NIN)], dtype=jnp.int32).reshape(-1, 1)
    # torch.bucketize(x, b, right=False): b[i-1] < v <= b[i]  ==  searchsorted side='left'
    x_dvec = jnp.searchsorted(disc_bounds, x, side='left').astype(jnp.int32).reshape(-1, NIN)
    x_int = (x_dvec @ dvec2int).reshape(-1)  # [B]
    # F.one_hot(x_int, NHID).float() @ W.T  ==  gather rows of W.T, i.e. columns of W
    mu = jnp.take(W, x_int, axis=1).T  # [B, NOUT]
    # forward returns MultivariateNormal(mu, scale_tril=diag(out_std)); the learned
    # distribution parameter is mu (scale is a constant), so return mu.
    return mu

if __name__ == "__main__":
    import jax
    _d = setup_inputs()
    print(jax.jit(kernel)(*tuple(_d.values())))

</pallas_src>

<mosaic_0001>
#map = affine_map<(d0, d1) -> (0)>
#map1 = affine_map<(d0, d1) -> (0, 0)>
module attributes {stable_mosaic.version = 14 : i64} {
  func.func @_sc_lookup(%arg0: i32, %arg1: i32, %arg2: memref<10240xf32, #tpu.memory_space<hbm>>, %arg3: memref<59049x128xf32, #tpu.memory_space<hbm>>, %arg4: memref<1024x128xf32, #tpu.memory_space<hbm>>, %arg5: memref<320xf32, #tpu.memory_space<vmem>>, %arg6: memref<32xi32, #tpu.memory_space<vmem>>, %arg7: memref<32x128xf32, #tpu.memory_space<vmem>>, %arg8: memref<!tpu.dma_semaphore, #tpu.memory_space<semaphore_mem>>) attributes {dimension_semantics = [#tpu.dimension_semantics<core_parallel>, #tpu.dimension_semantics<subcore_parallel>], iteration_bounds = array<i64: 2, 16>, scalar_prefetch = 0 : i64, scratch_operands = 4 : i64, tpu.core_type = #tpu.core_type<sc_vector_subcore>, window_params = [{transform_indices = #map}, {transform_indices = #map1}, {transform_indices = #map1}]} {
    %mul3A = arith.constant 2 : i32
    %mul3A_0 = arith.muli %arg1, %mul3A : i32
    %add3A = arith.addi %mul3A_0, %arg0 : i32
    %mul3A_1 = arith.constant 32 : i32
    %mul3A_2 = arith.muli %add3A, %mul3A_1 : i32
    %mul3A_3 = arith.constant 320 : i32
    %mul3A_4 = arith.muli %add3A, %mul3A_3 : i32
    "tpu.region"() ({
      %run_scoped3A = tpu.sem_alloc : memref<!tpu.dma_semaphore, #tpu.memory_space<semaphore_mem>>
      %dma_start3A_280 = tpu.memref_slice %arg2[%mul3A_4] : memref<10240xf32, #tpu.memory_space<hbm>> -> memref<320xf32, #tpu.memory_space<hbm>>
      %dma_start3A_281 = tpu.memref_slice %arg2[%mul3A_4] : memref<10240xf32, #tpu.memory_space<hbm>> -> memref<320xf32, #tpu.memory_space<hbm>>
      tpu.enqueue_dma source(%dma_start3A_281 : memref<320xf32, #tpu.memory_space<hbm>>) target(%arg5 : memref<320xf32, #tpu.memory_space<vmem>>) target_semaphore(%run_scoped3A : memref<!tpu.dma_semaphore, #tpu.memory_space<semaphore_mem>>)
      %dma_wait3A_282 = tpu.memref_slice %arg2[%mul3A_4] : memref<10240xf32, #tpu.memory_space<hbm>> -> memref<320xf32, #tpu.memory_space<hbm>>
      %dma_wait3A_283 = tpu.memref_slice %arg2[%mul3A_4] : memref<10240xf32, #tpu.memory_space<hbm>> -> memref<320xf32, #tpu.memory_space<hbm>>
      tpu.wait_dma2 semaphore(%run_scoped3A : memref<!tpu.dma_semaphore, #tpu.memory_space<semaphore_mem>>) src(%dma_wait3A_283 : memref<320xf32, #tpu.memory_space<hbm>>) dst(%arg5 : memref<320xf32, #tpu.memory_space<vmem>>)
      tpu.yield
    }) : () -> ()
    %broadcast_in_dim3A = arith.constant -1.000000e-01 : f32
    %broadcast_in_dim3A_5 = vector.broadcast %broadcast_in_dim3A : f32 to vector<16xf32>
    %broadcast_in_dim3A_6 = arith.constant 1.000000e-01 : f32
    %broadcast_in_dim3A_7 = vector.broadcast %broadcast_in_dim3A_6 : f32 to vector<16xf32>
    %broadcast_in_dim3A_8 = arith.constant 0 : i32
    %broadcast_in_dim3A_9 = vector.broadcast %broadcast_in_dim3A_8 : i32 to vector<16xi32>
    %get3A = arith.constant 0 : index
    %get3A_10 = tpu.vector_load %arg5[%get3A] {strides = array<i32>} : memref<320xf32, #tpu.memory_space<vmem>>, vector<16xf32>,
    %get3A_11 = vector.shape_cast %get3A_10 : vector<16xf32> to vector<16xf32>
    %broadcast_in_dim3A_12 = arith.constant 1 : i32
    %broadcast_in_dim3A_13 = vector.broadcast %broadcast_in_dim3A_12 : i32 to vector<16xi32>
    %broadcast_in_dim3A_14 = arith.constant 0 : i32
    %broadcast_in_dim3A_15 = vector.broadcast %broadcast_in_dim3A_14 : i32 to vector<16xi32>
    %gt3A = arith.cmpf ogt, %get3A_11, %broadcast_in_dim3A_5 : vector<16xf32>
    %select_n3A = arith.select %gt3A, %broadcast_in_dim3A_13, %broadcast_in_dim3A_15 : vector<16xi1>, vector<16xi32>
    %gt3A_16 = arith.cmpf ogt, %get3A_11, %broadcast_in_dim3A_7 : vector<16xf32>
    %select_n3A_17 = arith.select %gt3A_16, %broadcast_in_dim3A_13, %broadcast_in_dim3A_15 : vector<16xi1>, vector<16xi32>
    %add3A_18 = arith.addi %select_n3A, %select_n3A_17 : vector<16xi32>
    %add3A_19 = arith.addi %broadcast_in_dim3A_9, %add3A_18 : vector<16xi32>
    %get3A_20 = arith.constant 32 : index
    %get3A_21 = tpu.vector_load %arg5[%get3A_20] {strides = array<i32>} : memref<320xf32, #tpu.memory_space<vmem>>, vector<16xf32>,
    %get3A_22 = vector.shape_cast %get3A_21 : vector<16xf32> to vector<16xf32>
    %broadcast_in_dim3A_23 = arith.constant 3 : i32
    %broadcast_in_dim3A_24 = vector.broadcast %broadcast_in_dim3A_23 : i32 to vector<16xi32>
    %broadcast_in_dim3A_25 = arith.constant 0 : i32
    %broadcast_in_dim3A_26 = vector.broadcast %broadcast_in_dim3A_25 : i32 to vector<16xi32>
    %gt3A_27 = arith.cmpf ogt, %get3A_22, %broadcast_in_dim3A_5 : vector<16xf32>
    %select_n3A_28 = arith.select %gt3A_27, %broadcast_in_dim3A_24, %broadcast_in_dim3A_26 : vector<16xi1>, vector<16xi32>
    %gt3A_29 = arith.cmpf ogt, %get3A_22, %broadcast_in_dim3A_7 : vector<16xf32>
    %select_n3A_30 = arith.select %gt3A_29, %broadcast_in_dim3A_24, %broadcast_in_dim3A_26 : vector<16xi1>, vector<16xi32>
    %add3A_31 = arith.addi %select_n3A_28, %select_n3A_30 : vector<16xi32>
    %add3A_32 = arith.addi %add3A_19, %add3A_31 : vector<16xi32>
    %get3A_33 = arith.constant 64 : index
    %get3A_34 = tpu.vector_load %arg5[%get3A_33] {strides = array<i32>} : memref<320xf32, #tpu.memory_space<vmem>>, vector<16xf32>,
    %get3A_35 = vector.shape_cast %get3A_34 : vector<16xf32> to vector<16xf32>
    %broadcast_in_dim3A_36 = arith.constant 9 : i32
    %broadcast_in_dim3A_37 = vector.broadcast %broadcast_in_dim3A_36 : i32 to vector<16xi32>
    %broadcast_in_dim3A_38 = arith.constant 0 : i32
    %broadcast_in_dim3A_39 = vector.broadcast %broadcast_in_dim3A_38 : i32 to vector<16xi32>
    %gt3A_40 = arith.cmpf ogt, %get3A_35, %broadcast_in_dim3A_5 : vector<16xf32>
    %select_n3A_41 = arith.select %gt3A_40, %broadcast_in_dim3A_37, %broadcast_in_dim3A_39 : vector<16xi1>, vector<16xi32>
    %gt3A_42 = arith.cmpf ogt, %get3A_35, %broadcast_in_dim3A_7 : vector<16xf32>
    %select_n3A_43 = arith.select %gt3A_42, %broadcast_in_dim3A_37, %broadcast_in_dim3A_39 : vector<16xi1>, vector<16xi32>
    %add3A_44 = arith.addi %select_n3A_41, %select_n3A_43 : vector<16xi32>
    %add3A_45 = arith.addi %add3A_32, %add3A_44 : vector<16xi32>
    %get3A_46 = arith.constant 96 : index
    %get3A_47 = tpu.vector_load %arg5[%get3A_46] {strides = array<i32>} : memref<320xf32, #tpu.memory_space<vmem>>, vector<16xf32>,
    %get3A_48 = vector.shape_cast %get3A_47 : vector<16xf32> to vector<16xf32>
    %broadcast_in_dim3A_49 = arith.constant 27 : i32
    %broadcast_in_dim3A_50 = vector.broadcast %broadcast_in_dim3A_49 : i32 to vector<16xi32>
    %broadcast_in_dim3A_51 = arith.constant 0 : i32
    %broadcast_in_dim3A_52 = vector.broadcast %broadcast_in_dim3A_51 : i32 to vector<16xi32>
    %gt3A_53 = arith.cmpf ogt, %get3A_48, %broadcast_in_dim3A_5 : vector<16xf32>
    %select_n3A_54 = arith.select %gt3A_53, %broadcast_in_dim3A_50, %broadcast_in_dim3A_52 : vector<16xi1>, vector<16xi32>
    %gt3A_55 = arith.cmpf ogt, %get3A_48, %broadcast_in_dim3A_7 : vector<16xf32>
    %select_n3A_56 = arith.select %gt3A_55, %broadcast_in_dim3A_50, %broadcast_in_dim3A_52 : vector<16xi1>, vector<16xi32>
    %add3A_57 = arith.addi %select_n3A_54, %select_n3A_56 : vector<16xi32>
    %add3A_58 = arith.addi %add3A_45, %add3A_57 : vector<16xi32>
    %get3A_59 = arith.constant 128 : index
    %get3A_60 = tpu.vector_load %arg5[%get3A_59] {strides = array<i32>} : memref<320xf32, #tpu.memory_space<vmem>>, vector<16xf32>,
    %get3A_61 = vector.shape_cast %get3A_60 : vector<16xf32> to vector<16xf32>
    %broadcast_in_dim3A_62 = arith.constant 81 : i32
    %broadcast_in_dim3A_63 = vector.broadcast %broadcast_in_dim3A_62 : i32 to vector<16xi32>
    %broadcast_in_dim3A_64 = arith.constant 0 : i32
    %broadcast_in_dim3A_65 = vector.broadcast %broadcast_in_dim3A_64 : i32 to vector<16xi32>
    %gt3A_66 = arith.cmpf ogt, %get3A_61, %broadcast_in_dim3A_5 : vector<16xf32>
    %select_n3A_67 = arith.select %gt3A_66, %broadcast_in_dim3A_63, %broadcast_in_dim3A_65 : vector<16xi1>, vector<16xi32>
    %gt3A_68 = arith.cmpf ogt, %get3A_61, %broadcast_in_dim3A_7 : vector<16xf32>
    %select_n3A_69 = arith.select %gt3A_68, %broadcast_in_dim3A_63, %broadcast_in_dim3A_65 : vector<16xi1>, vector<16xi32>
    %add3A_70 = arith.addi %select_n3A_67, %select_n3A_69 : vector<16xi32>
    %add3A_71 = arith.addi %add3A_58, %add3A_70 : vector<16xi32>
    %get3A_72 = arith.constant 160 : index
    %get3A_73 = tpu.vector_load %arg5[%get3A_72] {strides = array<i32>} : memref<320xf32, #tpu.memory_space<vmem>>, vector<16xf32>,
    %get3A_74 = vector.shape_cast %get3A_73 : vector<16xf32> to vector<16xf32>
    %broadcast_in_dim3A_75 = arith.constant 243 : i32
    %broadcast_in_dim3A_76 = vector.broadcast %broadcast_in_dim3A_75 : i32 to vector<16xi32>
    %broadcast_in_dim3A_77 = arith.constant 0 : i32
    %broadcast_in_dim3A_78 = vector.broadcast %broadcast_in_dim3A_77 : i32 to vector<16xi32>
    %gt3A_79 = arith.cmpf ogt, %get3A_74, %broadcast_in_dim3A_5 : vector<16xf32>
    %select_n3A_80 = arith.select %gt3A_79, %broadcast_in_dim3A_76, %broadcast_in_dim3A_78 : vector<16xi1>, vector<16xi32>
    %gt3A_81 = arith.cmpf ogt, %get3A_74, %broadcast_in_dim3A_7 : vector<16xf32>
    %select_n3A_82 = arith.select %gt3A_81, %broadcast_in_dim3A_76, %broadcast_in_dim3A_78 : vector<16xi1>, vector<16xi32>
    %add3A_83 = arith.addi %select_n3A_80, %select_n3A_82 : vector<16xi32>
    %add3A_84 = arith.addi %add3A_71, %add3A_83 : vector<16xi32>
    %get3A_85 = arith.constant 192 : index
    %get3A_86 = tpu.vector_load %arg5[%get3A_85] {strides = array<i32>} : memref<320xf32, #tpu.memory_space<vmem>>, vector<16xf32>,
    %get3A_87 = vector.shape_cast %get3A_86 : vector<16xf32> to vector<16xf32>
    %broadcast_in_dim3A_88 = arith.constant 729 : i32
    %broadcast_in_dim3A_89 = vector.broadcast %broadcast_in_dim3A_88 : i32 to vector<16xi32>
    %broadcast_in_dim3A_90 = arith.constant 0 : i32
    %broadcast_in_dim3A_91 = vector.broadcast %broadcast_in_dim3A_90 : i32 to vector<16xi32>
    %gt3A_92 = arith.cmpf ogt, %get3A_87, %broadcast_in_dim3A_5 : vector<16xf32>
    %select_n3A_93 = arith.select %gt3A_92, %broadcast_in_dim3A_89, %broadcast_in_dim3A_91 : vector<16xi1>, vector<16xi32>
    %gt3A_94 = arith.cmpf ogt, %get3A_87, %broadcast_in_dim3A_7 : vector<16xf32>
    %select_n3A_95 = arith.select %gt3A_94, %broadcast_in_dim3A_89, %broadcast_in_dim3A_91 : vector<16xi1>, vector<16xi32>
    %add3A_96 = arith.addi %select_n3A_93, %select_n3A_95 : vector<16xi32>
    %add3A_97 = arith.addi %add3A_84, %add3A_96 : vector<16xi32>
    %get3A_98 = arith.constant 224 : index
    %get3A_99 = tpu.vector_load %arg5[%get3A_98] {strides = array<i32>} : memref<320xf32, #tpu.memory_space<vmem>>, vector<16xf32>,
    %get3A_100 = vector.shape_cast %get3A_99 : vector<16xf32> to vector<16xf32>
    %broadcast_in_dim3A_101 = arith.constant 2187 : i32
    %broadcast_in_dim3A_102 = vector.broadcast %broadcast_in_dim3A_101 : i32 to vector<16xi32>
    %broadcast_in_dim3A_103 = arith.constant 0 : i32
    %broadcast_in_dim3A_104 = vector.broadcast %broadcast_in_dim3A_103 : i32 to vector<16xi32>
    %gt3A_105 = arith.cmpf ogt, %get3A_100, %broadcast_in_dim3A_5 : vector<16xf32>
    %select_n3A_106 = arith.select %gt3A_105, %broadcast_in_dim3A_102, %broadcast_in_dim3A_104 : vector<16xi1>, vector<16xi32>
    %gt3A_107 = arith.cmpf ogt, %get3A_100, %broadcast_in_dim3A_7 : vector<16xf32>
    %select_n3A_108 = arith.select %gt3A_107, %broadcast_in_dim3A_102, %broadcast_in_dim3A_104 : vector<16xi1>, vector<16xi32>
    %add3A_109 = arith.addi %select_n3A_106, %select_n3A_108 : vector<16xi32>
    %add3A_110 = arith.addi %add3A_97, %add3A_109 : vector<16xi32>
    %get3A_111 = arith.constant 256 : index
    %get3A_112 = tpu.vector_load %arg5[%get3A_111] {strides = array<i32>} : memref<320xf32, #tpu.memory_space<vmem>>, vector<16xf32>,
    %get3A_113 = vector.shape_cast %get3A_112 : vector<16xf32> to vector<16xf32>
    %broadcast_in_dim3A_114 = arith.constant 6561 : i32
    %broadcast_in_dim3A_115 = vector.broadcast %broadcast_in_dim3A_114 : i32 to vector<16xi32>
    %broadcast_in_dim3A_116 = arith.constant 0 : i32
    %broadcast_in_dim3A_117 = vector.broadcast %broadcast_in_dim3A_116 : i32 to vector<16xi32>
    %gt3A_118 = arith.cmpf ogt, %get3A_113, %broadcast_in_dim3A_5 : vector<16xf32>
    %select_n3A_119 = arith.select %gt3A_118, %broadcast_in_dim3A_115, %broadcast_in_dim3A_117 : vector<16xi1>, vector<16xi32>
    %gt3A_120 = arith.cmpf ogt, %get3A_113, %broadcast_in_dim3A_7 : vector<16xf32>
    %select_n3A_121 = arith.select %gt3A_120, %broadcast_in_dim3A_115, %broadcast_in_dim3A_117 : vector<16xi1>, vector<16xi32>
    %add3A_122 = arith.addi %select_n3A_119, %select_n3A_121 : vector<16xi32>
    %add3A_123 = arith.addi %add3A_110, %add3A_122 : vector<16xi32>
    %get3A_124 = arith.constant 288 : index
    %get3A_125 = tpu.vector_load %arg5[%get3A_124] {strides = array<i32>} : memref<320xf32, #tpu.memory_space<vmem>>, vector<16xf32>,
    %get3A_126 = vector.shape_cast %get3A_125 : vector<16xf32> to vector<16xf32>
    %broadcast_in_dim3A_127 = arith.constant 19683 : i32
    %broadcast_in_dim3A_128 = vector.broadcast %broadcast_in_dim3A_127 : i32 to vector<16xi32>
    %broadcast_in_dim3A_129 = arith.constant 0 : i32
    %broadcast_in_dim3A_130 = vector.broadcast %broadcast_in_dim3A_129 : i32 to vector<16xi32>
    %gt3A_131 = arith.cmpf ogt, %get3A_126, %broadcast_in_dim3A_5 : vector<16xf32>
    %select_n3A_132 = arith.select %gt3A_131, %broadcast_in_dim3A_128, %broadcast_in_dim3A_130 : vector<16xi1>, vector<16xi32>
    %gt3A_133 = arith.cmpf ogt, %get3A_126, %broadcast_in_dim3A_7 : vector<16xf32>
    %select_n3A_134 = arith.select %gt3A_133, %broadcast_in_dim3A_128, %broadcast_in_dim3A_130 : vector<16xi1>, vector<16xi32>
    %add3A_135 = arith.addi %select_n3A_132, %select_n3A_134 : vector<16xi32>
    %add3A_136 = arith.addi %add3A_123, %add3A_135 : vector<16xi32>
    %swap3A = arith.constant 0 : index
    %swap3A_137 = tpu.vector_load %arg6[%swap3A] {strides = array<i32>} : memref<32xi32, #tpu.memory_space<vmem>>, vector<16xi32>,
    %swap3A_138 = vector.shape_cast %swap3A_137 : vector<16xi32> to vector<16xi32>
    %swap3A_139 = vector.shape_cast %add3A_136 : vector<16xi32> to vector<16xi32>
    tpu.vector_store %arg6[%swap3A], %swap3A_139 {strides = array<i32>} : memref<32xi32, #tpu.memory_space<vmem>>, vector<16xi32>,
    %broadcast_in_dim3A_140 = arith.constant 0 : i32
    %broadcast_in_dim3A_141 = vector.broadcast %broadcast_in_dim3A_140 : i32 to vector<16xi32>
    %get3A_142 = arith.constant 16 : index
    %get3A_143 = tpu.vector_load %arg5[%get3A_142] {strides = array<i32>} : memref<320xf32, #tpu.memory_space<vmem>>, vector<16xf32>,
    %get3A_144 = vector.shape_cast %get3A_143 : vector<16xf32> to vector<16xf32>
    %broadcast_in_dim3A_145 = arith.constant 1 : i32
    %broadcast_in_dim3A_146 = vector.broadcast %broadcast_in_dim3A_145 : i32 to vector<16xi32>
    %broadcast_in_dim3A_147 = arith.constant 0 : i32
    %broadcast_in_dim3A_148 = vector.broadcast %broadcast_in_dim3A_147 : i32 to vector<16xi32>
    %gt3A_149 = arith.cmpf ogt, %get3A_144, %broadcast_in_dim3A_5 : vector<16xf32>
    %select_n3A_150 = arith.select %gt3A_149, %broadcast_in_dim3A_146, %broadcast_in_dim3A_148 : vector<16xi1>, vector<16xi32>
    %gt3A_151 = arith.cmpf ogt, %get3A_144, %broadcast_in_dim3A_7 : vector<16xf32>
    %select_n3A_152 = arith.select %gt3A_151, %broadcast_in_dim3A_146, %broadcast_in_dim3A_148 : vector<16xi1>, vector<16xi32>
    %add3A_153 = arith.addi %select_n3A_150, %select_n3A_152 : vector<16xi32>
    %add3A_154 = arith.addi %broadcast_in_dim3A_141, %add3A_153 : vector<16xi32>
    %get3A_155 = arith.constant 48 : index
    %get3A_156 = tpu.vector_load %arg5[%get3A_155] {strides = array<i32>} : memref<320xf32, #tpu.memory_space<vmem>>, vector<16xf32>,
    %get3A_157 = vector.shape_cast %get3A_156 : vector<16xf32> to vector<16xf32>
    %broadcast_in_dim3A_158 = arith.constant 3 : i32
    %broadcast_in_dim3A_159 = vector.broadcast %broadcast_in_dim3A_158 : i32 to vector<16xi32>
    %broadcast_in_dim3A_160 = arith.constant 0 : i32
    %broadcast_in_dim3A_161 = vector.broadcast %broadcast_in_dim3A_160 : i32 to vector<16xi32>
    %gt3A_162 = arith.cmpf ogt, %get3A_157, %broadcast_in_dim3A_5 : vector<16xf32>
    %select_n3A_163 = arith.select %gt3A_162, %broadcast_in_dim3A_159, %broadcast_in_dim3A_161 : vector<16xi1>, vector<16xi32>
    %gt3A_164 = arith.cmpf ogt, %get3A_157, %broadcast_in_dim3A_7 : vector<16xf32>
    %select_n3A_165 = arith.select %gt3A_164, %broadcast_in_dim3A_159, %broadcast_in_dim3A_161 : vector<16xi1>, vector<16xi32>
    %add3A_166 = arith.addi %select_n3A_163, %select_n3A_165 : vector<16xi32>
    %add3A_167 = arith.addi %add3A_154, %add3A_166 : vector<16xi32>
    %get3A_168 = arith.constant 80 : index
    %get3A_169 = tpu.vector_load %arg5[%get3A_168] {strides = array<i32>} : memref<320xf32, #tpu.memory_space<vmem>>, vector<16xf32>,
    %get3A_170 = vector.shape_cast %get3A_169 : vector<16xf32> to vector<16xf32>
    %broadcast_in_dim3A_171 = arith.constant 9 : i32
    %broadcast_in_dim3A_172 = vector.broadcast %broadcast_in_dim3A_171 : i32 to vector<16xi32>
    %broadcast_in_dim3A_173 = arith.constant 0 : i32
    %broadcast_in_dim3A_174 = vector.broadcast %broadcast_in_dim3A_173 : i32 to vector<16xi32>
    %gt3A_175 = arith.cmpf ogt, %get3A_170, %broadcast_in_dim3A_5 : vector<16xf32>
    %select_n3A_176 = arith.select %gt3A_175, %broadcast_in_dim3A_172, %broadcast_in_dim3A_174 : vector<16xi1>, vector<16xi32>
    %gt3A_177 = arith.cmpf ogt, %get3A_170, %broadcast_in_dim3A_7 : vector<16xf32>
    %select_n3A_178 = arith.select %gt3A_177, %broadcast_in_dim3A_172, %broadcast_in_dim3A_174 : vector<16xi1>, vector<16xi32>
    %add3A_179 = arith.addi %select_n3A_176, %select_n3A_178 : vector<16xi32>
    %add3A_180 = arith.addi %add3A_167, %add3A_179 : vector<16xi32>
    %get3A_181 = arith.constant 112 : index
    %get3A_182 = tpu.vector_load %arg5[%get3A_181] {strides = array<i32>} : memref<320xf32, #tpu.memory_space<vmem>>, vector<16xf32>,
    %get3A_183 = vector.shape_cast %get3A_182 : vector<16xf32> to vector<16xf32>
    %broadcast_in_dim3A_184 = arith.constant 27 : i32
    %broadcast_in_dim3A_185 = vector.broadcast %broadcast_in_dim3A_184 : i32 to vector<16xi32>
    %broadcast_in_dim3A_186 = arith.constant 0 : i32
    %broadcast_in_dim3A_187 = vector.broadcast %broadcast_in_dim3A_186 : i32 to vector<16xi32>
    %gt3A_188 = arith.cmpf ogt, %get3A_183, %broadcast_in_dim3A_5 : vector<16xf32>
    %select_n3A_189 = arith.select %gt3A_188, %broadcast_in_dim3A_185, %broadcast_in_dim3A_187 : vector<16xi1>, vector<16xi32>
    %gt3A_190 = arith.cmpf ogt, %get3A_183, %broadcast_in_dim3A_7 : vector<16xf32>
    %select_n3A_191 = arith.select %gt3A_190, %broadcast_in_dim3A_185, %broadcast_in_dim3A_187 : vector<16xi1>, vector<16xi32>
    %add3A_192 = arith.addi %select_n3A_189, %select_n3A_191 : vector<16xi32>
    %add3A_193 = arith.addi %add3A_180, %add3A_192 : vector<16xi32>
    %get3A_194 = arith.constant 144 : index
    %get3A_195 = tpu.vector_load %arg5[%get3A_194] {strides = array<i32>} : memref<320xf32, #tpu.memory_space<vmem>>, vector<16xf32>,
    %get3A_196 = vector.shape_cast %get3A_195 : vector<16xf32> to vector<16xf32>
    %broadcast_in_dim3A_197 = arith.constant 81 : i32
    %broadcast_in_dim3A_198 = vector.broadcast %broadcast_in_dim3A_197 : i32 to vector<16xi32>
    %broadcast_in_dim3A_199 = arith.constant 0 : i32
    %broadcast_in_dim3A_200 = vector.broadcast %broadcast_in_dim3A_199 : i32 to vector<16xi32>
    %gt3A_201 = arith.cmpf ogt, %get3A_196, %broadcast_in_dim3A_5 : vector<16xf32>
    %select_n3A_202 = arith.select %gt3A_201, %broadcast_in_dim3A_198, %broadcast_in_dim3A_200 : vector<16xi1>, vector<16xi32>
    %gt3A_203 = arith.cmpf ogt, %get3A_196, %broadcast_in_dim3A_7 : vector<16xf32>
    %select_n3A_204 = arith.select %gt3A_203, %broadcast_in_dim3A_198, %broadcast_in_dim3A_200 : vector<16xi1>, vector<16xi32>
    %add3A_205 = arith.addi %select_n3A_202, %select_n3A_204 : vector<16xi32>
    %add3A_206 = arith.addi %add3A_193, %add3A_205 : vector<16xi32>
    %get3A_207 = arith.constant 176 : index
    %get3A_208 = tpu.vector_load %arg5[%get3A_207] {strides = array<i32>} : memref<320xf32, #tpu.memory_space<vmem>>, vector<16xf32>,
    %get3A_209 = vector.shape_cast %get3A_208 : vector<16xf32> to vector<16xf32>
    %broadcast_in_dim3A_210 = arith.constant 243 : i32
    %broadcast_in_dim3A_211 = vector.broadcast %broadcast_in_dim3A_210 : i32 to vector<16xi32>
    %broadcast_in_dim3A_212 = arith.constant 0 : i32
    %broadcast_in_dim3A_213 = vector.broadcast %broadcast_in_dim3A_212 : i32 to vector<16xi32>
    %gt3A_214 = arith.cmpf ogt, %get3A_209, %broadcast_in_dim3A_5 : vector<16xf32>
    %select_n3A_215 = arith.select %gt3A_214, %broadcast_in_dim3A_211, %broadcast_in_dim3A_213 : vector<16xi1>, vector<16xi32>
    %gt3A_216 = arith.cmpf ogt, %get3A_209, %broadcast_in_dim3A_7 : vector<16xf32>
    %select_n3A_217 = arith.select %gt3A_216, %broadcast_in_dim3A_211, %broadcast_in_dim3A_213 : vector<16xi1>, vector<16xi32>
    %add3A_218 = arith.addi %select_n3A_215, %select_n3A_217 : vector<16xi32>
    %add3A_219 = arith.addi %add3A_206, %add3A_218 : vector<16xi32>
    %get3A_220 = arith.constant 208 : index
    %get3A_221 = tpu.vector_load %arg5[%get3A_220] {strides = array<i32>} : memref<320xf32, #tpu.memory_space<vmem>>, vector<16xf32>,
    %get3A_222 = vector.shape_cast %get3A_221 : vector<16xf32> to vector<16xf32>
    %broadcast_in_dim3A_223 = arith.constant 729 : i32
    %broadcast_in_dim3A_224 = vector.broadcast %broadcast_in_dim3A_223 : i32 to vector<16xi32>
    %broadcast_in_dim3A_225 = arith.constant 0 : i32
    %broadcast_in_dim3A_226 = vector.broadcast %broadcast_in_dim3A_225 : i32 to vector<16xi32>
    %gt3A_227 = arith.cmpf ogt, %get3A_222, %broadcast_in_dim3A_5 : vector<16xf32>
    %select_n3A_228 = arith.select %gt3A_227, %broadcast_in_dim3A_224, %broadcast_in_dim3A_226 : vector<16xi1>, vector<16xi32>
    %gt3A_229 = arith.cmpf ogt, %get3A_222, %broadcast_in_dim3A_7 : vector<16xf32>
    %select_n3A_230 = arith.select %gt3A_229, %broadcast_in_dim3A_224, %broadcast_in_dim3A_226 : vector<16xi1>, vector<16xi32>
    %add3A_231 = arith.addi %select_n3A_228, %select_n3A_230 : vector<16xi32>
    %add3A_232 = arith.addi %add3A_219, %add3A_231 : vector<16xi32>
    %get3A_233 = arith.constant 240 : index
    %get3A_234 = tpu.vector_load %arg5[%get3A_233] {strides = array<i32>} : memref<320xf32, #tpu.memory_space<vmem>>, vector<16xf32>,
    %get3A_235 = vector.shape_cast %get3A_234 : vector<16xf32> to vector<16xf32>
    %broadcast_in_dim3A_236 = arith.constant 2187 : i32
    %broadcast_in_dim3A_237 = vector.broadcast %broadcast_in_dim3A_236 : i32 to vector<16xi32>
    %broadcast_in_dim3A_238 = arith.constant 0 : i32
    %broadcast_in_dim3A_239 = vector.broadcast %broadcast_in_dim3A_238 : i32 to vector<16xi32>
    %gt3A_240 = arith.cmpf ogt, %get3A_235, %broadcast_in_dim3A_5 : vector<16xf32>
    %select_n3A_241 = arith.select %gt3A_240, %broadcast_in_dim3A_237, %broadcast_in_dim3A_239 : vector<16xi1>, vector<16xi32>
    %gt3A_242 = arith.cmpf ogt, %get3A_235, %broadcast_in_dim3A_7 : vector<16xf32>
    %select_n3A_243 = arith.select %gt3A_242, %broadcast_in_dim3A_237, %broadcast_in_dim3A_239 : vector<16xi1>, vector<16xi32>
    %add3A_244 = arith.addi %select_n3A_241, %select_n3A_243 : vector<16xi32>
    %add3A_245 = arith.addi %add3A_232, %add3A_244 : vector<16xi32>
    %get3A_246 = arith.constant 272 : index
    %get3A_247 = tpu.vector_load %arg5[%get3A_246] {strides = array<i32>} : memref<320xf32, #tpu.memory_space<vmem>>, vector<16xf32>,
    %get3A_248 = vector.shape_cast %get3A_247 : vector<16xf32> to vector<16xf32>
    %broadcast_in_dim3A_249 = arith.constant 6561 : i32
    %broadcast_in_dim3A_250 = vector.broadcast %broadcast_in_dim3A_249 : i32 to vector<16xi32>
    %broadcast_in_dim3A_251 = arith.constant 0 : i32
    %broadcast_in_dim3A_252 = vector.broadcast %broadcast_in_dim3A_251 : i32 to vector<16xi32>
    %gt3A_253 = arith.cmpf ogt, %get3A_248, %broadcast_in_dim3A_5 : vector<16xf32>
    %select_n3A_254 = arith.select %gt3A_253, %broadcast_in_dim3A_250, %broadcast_in_dim3A_252 : vector<16xi1>, vector<16xi32>
    %gt3A_255 = arith.cmpf ogt, %get3A_248, %broadcast_in_dim3A_7 : vector<16xf32>
    %select_n3A_256 = arith.select %gt3A_255, %broadcast_in_dim3A_250, %broadcast_in_dim3A_252 : vector<16xi1>, vector<16xi32>
    %add3A_257 = arith.addi %select_n3A_254, %select_n3A_256 : vector<16xi32>
    %add3A_258 = arith.addi %add3A_245, %add3A_257 : vector<16xi32>
    %get3A_259 = arith.constant 304 : index
    %get3A_260 = tpu.vector_load %arg5[%get3A_259] {strides = array<i32>} : memref<320xf32, #tpu.memory_space<vmem>>, vector<16xf32>,
    %get3A_261 = vector.shape_cast %get3A_260 : vector<16xf32> to vector<16xf32>
    %broadcast_in_dim3A_262 = arith.constant 19683 : i32
    %broadcast_in_dim3A_263 = vector.broadcast %broadcast_in_dim3A_262 : i32 to vector<16xi32>
    %broadcast_in_dim3A_264 = arith.constant 0 : i32
    %broadcast_in_dim3A_265 = vector.broadcast %broadcast_in_dim3A_264 : i32 to vector<16xi32>
    %gt3A_266 = arith.cmpf ogt, %get3A_261, %broadcast_in_dim3A_5 : vector<16xf32>
    %select_n3A_267 = arith.select %gt3A_266, %broadcast_in_dim3A_263, %broadcast_in_dim3A_265 : vector<16xi1>, vector<16xi32>
    %gt3A_268 = arith.cmpf ogt, %get3A_261, %broadcast_in_dim3A_7 : vector<16xf32>
    %select_n3A_269 = arith.select %gt3A_268, %broadcast_in_dim3A_263, %broadcast_in_dim3A_265 : vector<16xi1>, vector<16xi32>
    %add3A_270 = arith.addi %select_n3A_267, %select_n3A_269 : vector<16xi32>
    %add3A_271 = arith.addi %add3A_258, %add3A_270 : vector<16xi32>
    %swap3A_272 = arith.constant 16 : index
    %swap3A_273 = tpu.vector_load %arg6[%swap3A_272] {strides = array<i32>} : memref<32xi32, #tpu.memory_space<vmem>>, vector<16xi32>,
    %swap3A_274 = vector.shape_cast %swap3A_273 : vector<16xi32> to vector<16xi32>
    %swap3A_275 = vector.shape_cast %add3A_271 : vector<16xi32> to vector<16xi32>
    tpu.vector_store %arg6[%swap3A_272], %swap3A_275 {strides = array<i32>} : memref<32xi32, #tpu.memory_space<vmem>>, vector<16xi32>,
    %dma_start3A = arith.constant 0 : i32
    %dma_start3A_276 = arith.constant 0 : i32
    %dma_start3A_277 = tpu.memref_slice %arg3[%dma_start3A, %dma_start3A_276] : memref<59049x128xf32, #tpu.memory_space<hbm>> -> memref<59049x128xf32, #tpu.memory_space<hbm>>
    tpu.enqueue_indirect_dma source(%dma_start3A_277 : memref<59049x128xf32, #tpu.memory_space<hbm>>) target(%arg7 : memref<32x128xf32, #tpu.memory_space<vmem>>) offsets(%arg6 : memref<32xi32, #tpu.memory_space<vmem>>) semaphore(%arg8 : memref<!tpu.dma_semaphore, #tpu.memory_space<semaphore_mem>>)
    %dma_wait3A = arith.constant 0 : i32
    %dma_wait3A_278 = arith.constant 0 : i32
    %dma_wait3A_279 = tpu.memref_slice %arg3[%dma_wait3A, %dma_wait3A_278] : memref<59049x128xf32, #tpu.memory_space<hbm>> -> memref<59049x128xf32, #tpu.memory_space<hbm>>
    tpu.wait_indirect_dma semaphore(%arg8 : memref<!tpu.dma_semaphore, #tpu.memory_space<semaphore_mem>>) src(%dma_wait3A_279 : memref<59049x128xf32, #tpu.memory_space<hbm>>) dst(%arg7 : memref<32x128xf32, #tpu.memory_space<vmem>>)
    "tpu.region"() ({
      %run_scoped3A = tpu.sem_alloc : memref<!tpu.dma_semaphore, #tpu.memory_space<semaphore_mem>>
      %dma_start3A_280 = arith.constant 0 : i32
      %dma_start3A_281 = tpu.memref_slice %arg4[%mul3A_2, %dma_start3A_280] : memref<1024x128xf32, #tpu.memory_space<hbm>> -> memref<32x128xf32, #tpu.memory_space<hbm>>
      %dma_start3A_282 = arith.constant 0 : i32
      %dma_start3A_283 = tpu.memref_slice %arg4[%mul3A_2, %dma_start3A_282] : memref<1024x128xf32, #tpu.memory_space<hbm>> -> memref<32x128xf32, #tpu.memory_space<hbm>>
      tpu.enqueue_dma source(%arg7 : memref<32x128xf32, #tpu.memory_space<vmem>>) target(%dma_start3A_283 : memref<32x128xf32, #tpu.memory_space<hbm>>) target_semaphore(%run_scoped3A : memref<!tpu.dma_semaphore, #tpu.memory_space<semaphore_mem>>)
      %dma_wait3A_284 = arith.constant 0 : i32
      %dma_wait3A_285 = tpu.memref_slice %arg4[%mul3A_2, %dma_wait3A_284] : memref<1024x128xf32, #tpu.memory_space<hbm>> -> memref<32x128xf32, #tpu.memory_space<hbm>>
      %dma_wait3A_286 = arith.constant 0 : i32
      %dma_wait3A_287 = tpu.memref_slice %arg4[%mul3A_2, %dma_wait3A_286] : memref<1024x128xf32, #tpu.memory_space<hbm>> -> memref<32x128xf32, #tpu.memory_space<hbm>>
      tpu.wait_dma2 semaphore(%run_scoped3A : memref<!tpu.dma_semaphore, #tpu.memory_space<semaphore_mem>>) src(%arg7 : memref<32x128xf32, #tpu.memory_space<vmem>>) dst(%dma_wait3A_287 : memref<32x128xf32, #tpu.memory_space<hbm>>)
      tpu.yield
    }) : () -> ()
    return
  }
}

</mosaic_0001>

<sc_bundles>
// kernel: kernel.3.cloned.1.call-start
scs
__scs_entry_jumppad:
0x0: {  	(pc) =	sbr.rel $0x88, $3  }
0x1: {  	(tag) =	ssettag $0x0;
	lr =	simm.s32 $0x1  }
0x2: {  	[smem:$0x3F9F] =	sst lr;
	_ =	strace $0xD0000000  }
0x3: {  	_ = 	snop  }
0x4: {  	_ = 	snop  }
0x5: {  	_ = 	snop  }
0x6: {  	_ = 	snop  }
0x7: {  	_ = 	snop  }
__scs_overlays_trampoline_lowered:
0x8: {  	[smem:$0x3FAE] =	sst s0  }
0x9: {  	[smem:$0x3FAF] =	sst s1  }
0xa: {  	[smem:$0x3FB0] =	sst s2  }
0xb: {  	[smem:$0x3FB1] =	sst s3  }
0xc: {  	[smem:$0x3FB2] =	sst s4  }
0xd: {  	[smem:$0x3FB3] =	sst s5  }
0xe: {  	[smem:$0x3FB4] =	sst s6  }
0xf: {  	[smem:$0x3FB5] =	sst s7  }
0x10: {  	[smem:$0x3FB6] =	sst s8  }
0x11: {  	[smem:$0x3FB7] =	sst s9;
	s0 =	simm.s32 @!p0 $0x0  }
0x12: {  	s1 =	sld [smem:$0x3F9D];
	s0 =	simm.s32 @p0 $0x1  }
0x13: {  	[smem:$0x3FB8] =	sst s0;
	s0 =	simm.s32 @!p1 $0x0  }
0x14: {  	s2 =	sld [smem:$0x3F9C];
	s0 =	simm.s32 @p1 $0x1  }
0x15: {  	[smem:$0x3FB9] =	sst s0;
	s0 =	simm.s32 @!p2 $0x0  }
0x16: {  	s3 =	sld [smem:$0x3FDB];
	s0 =	simm.s32 @p2 $0x1  }
0x17: {  	s4 =	simm.s32 $0x1BF5;
	[smem:$0x3FBB] =	sst s0  }
0x18: {  	s0 =	sld [smem:$0x3F9E];
	_ =	swait.ge [sflag:s4], $0x0  }
0x19: {  	s7 =	sld [smem:$0x3F9F]  }
0x1a: {  	s8 =	sadd.s32 $0xFFFFE003, lr  }
0x1b: {  	s9 =	sadd.s32 $0xFFFFFEF7, lr;
	s5 =	simm.s32 $0xFFFFFFFF;
	p2 =	slt.u32 s8, $0xFFFFF086  }
0x1c: {  	p1 =	slt.u32 s9, $0xF7A;
	s5 =	simm.s32 @!p2 $0x0  }
0x1d: {  	s5 =	simm.s32 @p1 $0x1;
	p0 =	seq.s32 s7, s2  }
0x1e: {  	s7 =	smul.u32 @!p0 $0xF7A, s2;
	p2 =	seq.s32 @!p0 s5, $0x0  }
0x1f: {  	s9 =	smul.u32 $0xF7A, s1;
	s8 =	simm.s32 @!p0 $0x1BF5;
	p2 =	por !p2, p0  }
0x20: {  	[sflag:s8] =	ssyncset.s32 @!p0 $0xFFFFF086;
	s6 =	sadd.s32 @!p0 s3, s7;
	s7 =	simm.s32 @!p0 $0x108  }
0x21: {  	s3 =	sadd.s32 s3, s9;
	s6 =	sadd.s32 @!p0 $0x88, s6;
	s7 =	simm.s32 @p2 $0x1082  }
0x22: {  	[simem:s7], [sflag:s8] =	dma.local @!p0 [hbm:s6], $0xF7A  }
0x23: {  	s9 =	sor.u32 $0xD0000000, s2;
	s6 =	simm.s32 $0x108;
	_ =	swait.ge @!p0 [sflag:s8], $0x0  }
0x24: {  	s3 =	sadd.s32 $0x88, s3;
	s6 =	simm.s32 @!p1 $0x1082;
	[sflag:s4] =	ssyncset.s32 $0xFFFFF086  }
0x25: {  	[simem:s6], [sflag:s4] =	dma.local [hbm:s3], $0xF7A  }
0x26: {  	[smem:$0x3F9F] =	sst s1;
	(tag) =	ssettag s2;
	_ =	strace s9  }
0x27: {  	s1 =	sld [smem:$0x3FAF]  }
0x28: {  	s2 =	sld [smem:$0x3FB0]  }
0x29: {  	s4 =	sld [smem:$0x3FB2]  }
0x2a: {  	p0 =	seq.s32 s5, $0x0;
	s5 =	sld [smem:$0x3FB3]  }
0x2b: {  	s6 =	sld [smem:$0x3FB4]  }
0x2c: {  	s7 =	sld [smem:$0x3FB5]  }
0x2d: {  	s3 =	simm.s32 $0x108;
	s8 =	sld [smem:$0x3FB6]  }
0x2e: {  	s3 =	simm.s32 @!p0 $0x1082;
	s9 =	sld [smem:$0x3FB7]  }
0x2f: {  	lr =	sadd.s32 s0, s3;
	s0 =	sld [smem:$0x3FAE]  }
0x30: {  	s3 =	sld [smem:$0x3FB1]  }
0x31: {  	[smem:$0x3FBA] =	sst s10  }
0x32: {  	s10 =	sld [smem:$0x3FB8];
	_ =	sdelay $0x3  }
0x33: {  	p0 =	seq.s32 s10, $0x1;
	s10 =	sld [smem:$0x3FBA];
	_ =	sdelay $0x3  }
0x34: {  	[smem:$0x3FBA] =	sst s10  }
0x35: {  	s10 =	sld [smem:$0x3FB9];
	_ =	sdelay $0x3  }
0x36: {  	p1 =	seq.s32 s10, $0x1;
	s10 =	sld [smem:$0x3FBA];
	_ =	sdelay $0x3  }
0x37: {  	[smem:$0x3FBA] =	sst s10  }
0x38: {  	s10 =	sld [smem:$0x3FBB]  }
0x39: {  	_ = 	snop;
	(pc) =	sbr.ind lr, $3  }
0x3a: {  	_ = 	snop  }
0x3b: {  	_ = 	snop  }
0x3c: {  	p2 =	seq.s32 s10, $0x1;
	s10 =	sld [smem:$0x3FBA]  }
0x3d: {  	_ =	shalt  }
0x3e: {  	_ =	shalt  }
0x3f: {  	_ =	shalt  }
0x40: {  	_ =	shalt  }
0x41: {  	_ =	shalt  }
0x42: {  	_ =	shalt  }
0x43: {  	_ =	shalt  }
0x44: {  	_ =	shalt  }
0x45: {  	_ =	shalt  }
0x46: {  	_ =	shalt  }
0x47: {  	_ =	shalt  }
0x48: {  	_ =	shalt  }
0x49: {  	_ =	shalt  }
0x4a: {  	_ =	shalt  }
0x4b: {  	_ =	shalt  }
0x4c: {  	_ =	shalt  }
0x4d: {  	_ =	shalt  }
0x4e: {  	_ =	shalt  }
0x4f: {  	_ =	shalt  }
0x50: {  	_ =	shalt  }
0x51: {  	_ =	shalt  }
0x52: {  	_ =	shalt  }
0x53: {  	_ =	shalt  }
0x54: {  	_ =	shalt  }
0x55: {  	_ =	shalt  }
0x56: {  	_ =	shalt  }
0x57: {  	_ =	shalt  }
0x58: {  	_ =	shalt  }
0x59: {  	_ =	shalt  }
0x5a: {  	_ =	shalt  }
0x5b: {  	_ =	shalt  }
0x5c: {  	_ =	shalt  }
0x5d: {  	_ =	shalt  }
0x5e: {  	_ =	shalt  }
0x5f: {  	_ =	shalt  }
0x60: {  	_ =	shalt  }
0x61: {  	_ =	shalt  }
0x62: {  	_ =	shalt  }
0x63: {  	_ =	shalt  }
0x64: {  	_ =	shalt  }
0x65: {  	_ =	shalt  }
0x66: {  	_ =	shalt  }
0x67: {  	_ =	shalt  }
0x68: {  	_ =	shalt  }
0x69: {  	_ =	shalt  }
0x6a: {  	_ =	shalt  }
0x6b: {  	_ =	shalt  }
0x6c: {  	_ =	shalt  }
0x6d: {  	_ =	shalt  }
0x6e: {  	_ =	shalt  }
0x6f: {  	_ =	shalt  }
0x70: {  	_ =	shalt  }
0x71: {  	_ =	shalt  }
0x72: {  	_ =	shalt  }
0x73: {  	_ =	shalt  }
0x74: {  	_ =	shalt  }
0x75: {  	_ =	shalt  }
0x76: {  	_ =	shalt  }
0x77: {  	_ =	shalt  }
0x78: {  	_ =	shalt  }
0x79: {  	_ =	shalt  }
0x7a: {  	_ =	shalt  }
0x7b: {  	_ =	shalt  }
0x7c: {  	_ =	shalt  }
0x7d: {  	_ =	shalt  }
0x7e: {  	_ =	shalt  }
0x7f: {  	_ =	shalt  }
0x80: {  	_ =	shalt  }
0x81: {  	_ =	shalt  }
0x82: {  	_ =	shalt  }
0x83: {  	_ =	shalt  }
0x84: {  	_ =	shalt  }
0x85: {  	_ =	shalt  }
0x86: {  	_ =	shalt  }
0x87: {  	_ =	shalt  }
.Lfunc_end0:
.L_simem_size_0:
called_computation_lowered:
.L_overlay_start_0:
0x88: {  	s2 =	sld [smem:$0x3FD9]  }
0x89: {  	s3 =	sld [smem:$0x3FFE];
	_ =	sdelay $0x1  }
0x8a: {  	s1 =	srdreg.scid  }
0x8b: {  	s0 =	sand.u32 $0x1, s1  }
0x8c: {  	s17 =	sshll.u32 s0, $0xA;
	s2 =	sadd.s32 s3, s2  }
0x8d: {  	s2 =	sadd.s32 s2, s17  }
0x8e: {  	[smem:$0x3FC6] =	sst s2  }
0x8f: {  	_ = 	snop  }
0x90: {  	s2 =	sld [smem:$0x3FC8]  }
0x91: {  	s18 =	sld [smem:$0x3FD0];
	(tm) =	ssettm $0x1  }
0x92: {  	s4 =	sld [smem:$0x3FFB];
	_ =	sdelay $0x3  }
0x93: {  	_ =	strace s4  }
0x94: {  	s4 =	sld [smem:$0x3FFC];
	_ =	sdelay $0x3  }
0x95: {  	_ =	strace s4  }
0x96: {  	s4 =	sld [smem:$0x3FFD];
	_ =	sdelay $0x3  }
0x97: {  	_ =	strace s4  }
0x98: {  	_ =	strace $0x8FFFFFFF  }
0x99: {  	s19 =	sld [smem:$0x3FDB];
	_ =	sdelay $0x1  }
0x9a: {  	s5 =	simm.s32 $_scs_section_size  }
0x9b: {  	s6 =	simm.s32 $_size__tile_overlayer_lowered;
	s7 =	simm.s32 $_tile_overlayer_lowered  }
0x9c: {  	s22 =	simm.s32 $0x1BFF;
	s21 =	sshll.u32 s7, $0x1;
	s4 =	sadd.s32 s5, s19  }
0x9d: {  	s8 =	simm.s32 $0x0;
	s20 =	sshll.u32 s6, $0x1;
	s6 =	sadd.s32 s21, s4  }
0x9e: {  	[timem:s8], [sflag:s22] =	dma.local [hbm:s6], s20  }
0x9f: {  	_ =	swait.ge [sflag:s22], s20  }
0xa0: {  	s5 =	ssub.s32 $0x0, s20;
	[sflag:s22] =	ssyncset.done $0x0  }
0xa1: {  	[sflag:s22] =	ssyncadd.s32 s5;
	_ =	sdelay $0x1  }
0xa2: {  	s23 =	simm.s32 $0x1B8B  }
0xa3: {  	_ =	swait.ge [sflag:s23], $0x1  }
0xa4: {  	[sflag:s23] =	ssyncset.done $0x0  }
0xa5: {  	s25 =	simm.s32 $0x1B8E;
	s24 =	sld [smem:$0x3FFE];
	[sflag:s23] =	ssyncadd.s32 $0xFFFFFFFF  }
0xa6: {  	s26 =	simm.s32 $execute0_lowered;
	[smem:$0x3FD2] =	sst s25  }
0xa7: {  	s6 =	sshll.u32 s26, $0x1;
	_ =	strace $0x80000046;
	[dreg:$0x1] =	wrdreg $0xFFFFFFFF  }
0xa8: {  	s28 =	simm.s32 $_size_execute0_lowered;
	s4 =	sadd.s32 s4, s6;
	[dreg:$0x0] =	wrdreg $0x0  }
0xa9: {  	s6 =	sshll.u32 s28, $0x1;
	[dreg:$0x2] =	wrdreg s4  }
0xaa: {  	[dreg:$0x3] =	wrdreg s6  }
0xab: {  	[dreg:$0x4] =	wrdreg $0xC0  }
0xac: {  	_ =	task [dreg:s8], $0x5FFFF  }
0xad: {  	[dreg:$0x1] =	wrdreg $0xFFFFFFFF  }
0xae: {  	[dreg:$0x0] =	wrdreg $0x60  }
0xaf: {  	[dreg:$0x2] =	wrdreg s24  }
0xb0: {  	[dreg:$0x3] =	wrdreg s2  }
0xb1: {  	[dreg:$0x4] =	wrdreg s18  }
0xb2: {  	[dreg:$0x5] =	wrdreg $0x9  }
0xb3: {  	_ =	task.clear_ibuf [dreg:s8], $0x6FFFF;
	_ =	strace $0x90000046  }
0xb4: {  	s29 =	simm.s32 $0x9;
	_ =	strace $0x80000048  }
0xb5: {  	_ =	swait.ge [sflag:s29], $0x1  }
0xb6: {  	[sflag:s29] =	ssyncadd.s32 $0xFFFFFFFF  }
0xb7: {  	_ =	strace $0x90000048  }
0xb8: {  	_ =	sfence  }
0xb9: {  	s30 =	sld [smem:$0x0];
	_ =	sdelay $0x2  }
0xba: {  	s31 =	sshll.u32 s1, $0xD;
	s1 =	sshrl.u32 s1, $0x2  }
0xbb: {  	s3 =	sand.u32 $0x4000, s31;
	s1 =	sadd.s32 s1, s30  }
0xbc: {  	s0 =	sor.u32 s3, s0;
	s1 =	sshll.u32 s1, $0x11  }
0xbd: {  	s0 =	sor.u32 s1, s0  }
0xbe: {  	s0 =	sadd.s32 $0x8F2B, s0  }
0xbf: {  	[sflag:s0] =	ssyncadd.remote.s32 $0x1  }
0xc0: {  	_ =	sfence.sel $0xFFFF  }
0xc1: {  	[dreg:$0x0] =	wrdreg $0xFFFFFFFF;
	(pc) =	sbr.abs _section_cstart, $3  }
0xc2: {  	[dreg:$0x1] =	wrdreg $0xFFFFFFFF  }
0xc3: {  	_ =	task.clear_ibuf [dreg:s8], $0x2FFFF;
	_ =	strace $0x9FFFFFFF  }
0xc4: {  	(tm) =	ssettm $0x7FFFFFFF  }
0xc5: {  	_ =	shalt  }
tec
execute0_lowered:
.L_overlay_start_1:
0x0: {  	(tag) =	ssettag $0x1  }
0x1: {  	s1 =	srdreg.scid;
	s0 =	stileid.u32  }
0x2: {  	s4 =	rddreg [dreg:$0x0];
	s8 =	sand.u32 $0x1, s1;
	s31 =	sshll.u32 s0, $0x1  }
0x3: {  	s2 =	rddreg [dreg:$0x1];
	s7 =	sor.u32 s8, s31  }
0x4: {  	s6 =	rddreg [dreg:$0x2];
	s5 =	smul.u32 $0x28, s7  }
0x5: {  	s3 =	simm.s32 $0x0;
	s1 =	rddreg [dreg:$0x3]  }
0x6: {  	[smem:$0x7FF] =	sst s3;
	s4 =	sadd.s32 s5, s4  }
0x7: {  	_ =	strace $0x80000047;
	s5 =	sadd.s32 $0x400, s4;
	s4 =	simm.s32 $0x2  }
0x8: {  	[tilespmem:s3], [sflag:$0x2] =	stream.linear.gather [hbm4b:s5+s3], $0x140, $0x38;
	[tilespmem:$0x1200] =	vst v63  }
0x9: {  	_ =	swait.ge [sflag:s4], $0x140  }
0xa: {  	[sflag:s4] =	ssyncset.done $0x0  }
0xb: {  	[sflag:s4] =	ssyncadd.s32 $0xFFFFFEC0  }
0xc: {  	v1 =	vld [tilespmem:$0x20]  }
0xd: {  	v2 =	vld [tilespmem:$0x0]  }
0xe: {  	v5 =	vld [tilespmem:$0x40]  }
0xf: {  	v6 =	vld [tilespmem:$0x60]  }
0x10: {  	v9 =	vld [tilespmem:$0x80]  }
0x11: {  	v13 =	vld [tilespmem:$0x90]  }
0x12: {  	v14 =	vld [tilespmem:$0xA0]  }
0x13: {  	v17 =	vld [tilespmem:$0xC0];
	_ =	sdelay $0x1  }
0x14: {  	v0 =	vimm.s32 $0x0;
	v3 =	vld [tilespmem:$0x10];
	vm0 =	vgt.f32 v1, $-1.000000010e-01;
	vm1 =	vgt.f32 v1, $1.000000010e-01  }
0x15: {  	v4 =	vld [tilespmem:$0x30];
	vm2 =	vgt.f32 v2, $-1.000000010e-01;
	vm3 =	vgt.f32 v2, $1.000000010e-01;
	vm4 =	vgt.f32 v6, $-1.000000010e-01  }
0x16: {  	vm5 =	vgt.f32 v13, $-1.000000010e-01;
	vm11 =	vgt.f32 v5, $1.000000010e-01;
	vm8 =	vgt.f32 v14, $-1.000000010e-01  }
0x17: {  	vm6 =	vgt.f32 v17, $1.000000010e-01;
	vm12 =	vgt.f32 v9, $-1.000000010e-01;
	vm13 =	vgt.f32 v6, $1.000000010e-01  }
0x18: {  	vm15 =	vgt.f32 v13, $1.000000010e-01;
	v2 =	vsel vm1, $0x3, v0;
	v7 =	vsel vm0, $0x3, v0  }
0x19: {  	vm0 =	vgt.f32 v3, $-1.000000010e-01;
	vm1 =	vgt.f32 v3, $1.000000010e-01;
	v8 =	vsel vm2, $0x1, v0  }
0x1a: {  	v1 =	vld [tilespmem:$0x50];
	v12 =	vsel vm3, $0x1, v0;
	vm2 =	vgt.f32 v4, $1.000000010e-01;
	v63 =	vsel vm5, $0x51, v0  }
0x1b: {  	v6 =	vsel vm11, $0x9, v0;
	v13 =	vsel vm15, $0x51, v0;
	v10 =	vsel vm0, $0x1, v0  }
0x1c: {  	v3 =	vld [tilespmem:$0x70];
	v11 =	vsel vm1, $0x1, v0;
	vm0 =	vgt.f32 v5, $-1.000000010e-01;
	vm1 =	vgt.f32 v4, $-1.000000010e-01  }
0x1d: {  	v4 =	vld [tilespmem:$0xB0];
	v8 =	vadd.s32 v12, v8;
	v15 =	vsel vm2, $0x3, v0;
	v10 =	vadd.s32 v11, v10  }
0x1e: {  	v12 =	vld [tilespmem:$0xD0];
	v11 =	vsel vm1, $0x3, v0;
	v16 =	vsel vm0, $0x9, v0;
	vm0 =	vgt.f32 v9, $1.000000010e-01  }
0x1f: {  	v10 =	vadd.s32 v15, v10;
	v19 =	vsel vm0, $0x51, v0;
	vm3 =	vgt.f32 v1, $-1.000000010e-01  }
0x20: {  	v5 =	vld [tilespmem:$0xE0];
	vm1 =	vgt.f32 v1, $1.000000010e-01;
	v1 =	vadd.s32 v2, v8;
	v10 =	vadd.s32 v11, v10  }
0x21: {  	vm2 =	vgt.f32 v3, $-1.000000010e-01;
	v2 =	vsel vm1, $0x9, v0;
	v7 =	vadd.s32 v7, v1  }
0x22: {  	v1 =	vsel vm3, $0x9, v0;
	vm3 =	vgt.f32 v3, $1.000000010e-01;
	v3 =	vsel vm4, $0x1B, v0  }
0x23: {  	vm1 =	vgt.f32 v17, $-1.000000010e-01;
	vm10 =	vgt.f32 v4, $-1.000000010e-01;
	vm9 =	vgt.f32 v12, $-1.000000010e-01  }
0x24: {  	v8 =	vld [tilespmem:$0xF0];
	v11 =	vsel vm2, $0x1B, v0;
	v10 =	vadd.s32 v2, v10;
	v18 =	vsel vm3, $0x1B, v0  }
0x25: {  	vm2 =	vgt.f32 v5, $-1.000000010e-01;
	vm5 =	vgt.f32 v5, $1.000000010e-01;
	vm11 =	vgt.f32 v4, $1.000000010e-01  }
0x26: {  	v5 =	vadd.s32 v6, v7;
	vm14 =	vgt.f32 v12, $1.000000010e-01;
	v7 =	vsel vm13, $0x1B, v0  }
0x27: {  	s8 =	ssub.s32 $0x2, s8;
	vm13 =	vgt.f32 v14, $1.000000010e-01;
	v1 =	vadd.s32 v1, v10;
	v6 =	vadd.s32 v16, v5  }
0x28: {  	s9 =	sshrl.u32 s8, $0x1;
	v15 =	vld [tilespmem:$0x100];
	v4 =	vsel vm10, $0xF3, v0;
	v1 =	vadd.s32 v18, v1;
	v7 =	vadd.s32 v7, v6  }
0x29: {  	s8 =	ssub.s32 s8, s9;
	v2 =	vld [tilespmem:$0x120];
	vm7 =	vgt.f32 v8, $-1.000000010e-01;
	v11 =	vadd.s32 v11, v1;
	v3 =	vadd.s32 v3, v7  }
0x2a: {  	s11 =	smax.u32 s8, $0x1;
	v1 =	vld [tilespmem:$0x110];
	vm10 =	vgt.f32 v8, $1.000000010e-01;
	v8 =	vsel vm12, $0x51, v0;
	v3 =	vadd.s32 v19, v3  }
0x2b: {  	p0 =	sne.s32 s11, $0x1;
	v12 =	vsel vm8, $0xF3, v0;
	v9 =	vsel vm13, $0xF3, v0;
	v3 =	vadd.s32 v8, v3  }
.Ltmp0:
0x2c: {  	v5 =	vsel vm14, $0x2D9, v0;
	v10 =	vsel vm11, $0xF3, v0;
	v14 =	vadd.s32 v9, v3;
	v3 =	vld [tilespmem:$0x130];
	(pc) =	sbr.rel @!p0 .LBB2_2-.Ltmp0, $4  }
0x2d: {  	vm3 =	vgt.f32 v15, $-1.000000010e-01;
	vm4 =	vgt.f32 v15, $1.000000010e-01;
	v6 =	vsel vm9, $0x2D9, v0  }
0x2e: {  	s7 =	sshll.u32 s7, $0x9;
	v7 =	vsel vm10, $0x88B, v0;
	v13 =	vadd.s32 v13, v11;
	v11 =	vsel vm6, $0x2D9, v0  }
0x2f: {  	s10 =	simm.s32 $0x1;
	s6 =	sadd.s32 s6, s7;
	s7 =	simm.s32 $0x20;
	vm0 =	vgt.f32 v2, $1.000000010e-01;
	v8 =	vsel vm7, $0x88B, v0;
	vm9 =	vgt.f32 v1, $1.000000010e-01  }
0x30: {  	s9 =	simm.s32 $0x200;
	s8 =	simm.s32 $0x180;
	s11 =	sadd.s32 $0xFFFFFFFF, s11;
	v13 =	vadd.s32 v63, v13;
	v12 =	vadd.s32 v12, v14;
	v9 =	vsel vm9, $0x19A1, v0  }
.LBB2_1:
0x31: {  	p0 =	sne.s32 s11, $0x1;
	s11 =	sadd.s32 $0xFFFFFFFF, s11;
	v14 =	vsel vm1, $0x2D9, v0;
	vm1 =	vgt.f32 v2, $-1.000000010e-01;
	vm6 =	vgt.f32 v3, $1.000000010e-01  }
0x32: {  	v2 =	vsel vm5, $0x88B, v0;
	vm5 =	vgt.f32 v1, $-1.000000010e-01;
	v1 =	vadd.s32 v10, v13  }
0x33: {  	v10 =	vsel vm2, $0x88B, v0;
	v13 =	vsel vm3, $0x19A1, v0;
	v1 =	vadd.s32 v4, v1  }
0x34: {  	v11 =	vadd.s32 v11, v12;
	v4 =	vsel vm4, $0x19A1, v0;
	v1 =	vadd.s32 v5, v1  }
0x35: {  	v5 =	vadd.s32 v14, v11;
	v11 =	vsel vm5, $0x19A1, v0;
	v1 =	vadd.s32 v6, v1  }
0x36: {  	vm2 =	vgt.f32 v3, $-1.000000010e-01;
	v2 =	vadd.s32 v2, v5;
	v1 =	vadd.s32 v7, v1  }
0x37: {  	v3 =	vsel vm2, $0x4CE3, v0;
	v2 =	vadd.s32 v10, v2;
	v1 =	vadd.s32 v8, v1  }
0x38: {  	v2 =	vadd.s32 v4, v2;
	v4 =	vsel vm6, $0x4CE3, v0;
	v1 =	vadd.s32 v9, v1  }
0x39: {  	v5 =	vsel vm0, $0x4CE3, v0;
	v2 =	vadd.s32 v13, v2;
	v1 =	vadd.s32 v11, v1  }
0x3a: {  	v6 =	vsel vm1, $0x4CE3, v0;
	v2 =	vadd.s32 v5, v2;
	v1 =	vadd.s32 v4, v1  }
0x3b: {  	v2 =	vadd.s32 v6, v2;
	v1 =	vadd.s32 v3, v1  }
0x3c: {  	[tilespmem:$0x180] =	vst v2;
	_ =	sdelay $0x1  }
0x3d: {  	[tilespmem:$0x190] =	vst v1  }
0x3e: {  	[tilespmem:s9], [sflag:$0x1] =	stream.indirect.gather [hbm4b:s2+s7], $0x80, s8, s7, $0xb8;
	[tilespmem:$0x1200] =	vst v63  }
0x3f: {  	_ =	swait.ge [sflag:s10], $0x1000  }
0x40: {  	[sflag:s10] =	ssyncset.done $0x0  }
0x41: {  	[sflag:s10] =	ssyncadd.s32 $0xFFFFF000  }
0x42: {  	[hbm4b:s6+s3] =	stream.linear.scatter [tilespmem:s9], [sflag:$0x2], $0x1000, $0x38;
	[tilespmem:$0x1200] =	vst v63  }
0x43: {  	_ =	swait.ge [sflag:s4], $0x1000  }
0x44: {  	[sflag:s4] =	ssyncset.done $0x0  }
0x45: {  	[sflag:s4] =	ssyncadd.s32 $0xFFFFF000  }
0x46: {  	[tilespmem:s3], [sflag:$0x2] =	stream.linear.gather [hbm4b:s5+s3], $0x140, $0x38;
	[tilespmem:$0x1200] =	vst v63  }
0x47: {  	_ =	swait.ge [sflag:s4], $0x140  }
0x48: {  	[sflag:s4] =	ssyncset.done $0x0  }
0x49: {  	[sflag:s4] =	ssyncadd.s32 $0xFFFFFEC0  }
0x4a: {  	v1 =	vld [tilespmem:$0x20]  }
0x4b: {  	v2 =	vld [tilespmem:$0x0]  }
0x4c: {  	v3 =	vld [tilespmem:$0x10]  }
0x4d: {  	v4 =	vld [tilespmem:$0x30]  }
0x4e: {  	v5 =	vld [tilespmem:$0x40]  }
0x4f: {  	vm0 =	vgt.f32 v1, $-1.000000010e-01;
	vm1 =	vgt.f32 v1, $1.000000010e-01;
	v1 =	vld [tilespmem:$0x50]  }
0x50: {  	vm2 =	vgt.f32 v2, $-1.000000010e-01;
	vm3 =	vgt.f32 v2, $1.000000010e-01;
	v2 =	vsel vm1, $0x3, v0;
	v6 =	vld [tilespmem:$0x60]  }
0x51: {  	v7 =	vsel vm0, $0x3, v0;
	vm0 =	vgt.f32 v3, $-1.000000010e-01;
	vm1 =	vgt.f32 v3, $1.000000010e-01;
	v3 =	vld [tilespmem:$0x70]  }
0x52: {  	v8 =	vsel vm2, $0x1, v0;
	v9 =	vld [tilespmem:$0x80];
	v10 =	vsel vm0, $0x1, v0;
	v11 =	vsel vm1, $0x1, v0  }
0x53: {  	v12 =	vsel vm3, $0x1, v0;
	vm0 =	vgt.f32 v5, $-1.000000010e-01;
	v13 =	vld [tilespmem:$0x90];
	v10 =	vadd.s32 v11, v10  }
0x54: {  	vm1 =	vgt.f32 v4, $-1.000000010e-01;
	vm2 =	vgt.f32 v4, $1.000000010e-01;
	vm3 =	vgt.f32 v1, $-1.000000010e-01;
	v4 =	vld [tilespmem:$0xB0]  }
0x55: {  	v8 =	vadd.s32 v12, v8;
	v11 =	vsel vm1, $0x3, v0;
	vm5 =	vgt.f32 v6, $-1.000000010e-01;
	v12 =	vld [tilespmem:$0xD0]  }
0x56: {  	v15 =	vsel vm2, $0x3, v0;
	vm1 =	vgt.f32 v1, $1.000000010e-01;
	v14 =	vld [tilespmem:$0xA0];
	vm7 =	vgt.f32 v3, $-1.000000010e-01  }
0x57: {  	v16 =	vsel vm0, $0x9, v0;
	v1 =	vadd.s32 v2, v8;
	vm2 =	vgt.f32 v9, $1.000000010e-01;
	v8 =	vld [tilespmem:$0xF0]  }
0x58: {  	v2 =	vadd.s32 v15, v10;
	v18 =	vsel vm1, $0x9, v0;
	v17 =	vld [tilespmem:$0xC0];
	vm0 =	vgt.f32 v13, $-1.000000010e-01  }
0x59: {  	v7 =	vadd.s32 v7, v1;
	v10 =	vsel vm3, $0x9, v0;
	vm4 =	vgt.f32 v4, $-1.000000010e-01;
	v1 =	vld [tilespmem:$0x110]  }
0x5a: {  	vm11 =	vgt.f32 v5, $1.000000010e-01;
	vm3 =	vgt.f32 v3, $1.000000010e-01;
	v5 =	vld [tilespmem:$0xE0];
	vm9 =	vgt.f32 v12, $-1.000000010e-01  }
0x5b: {  	v15 =	vsel vm5, $0x1B, v0;
	v3 =	vadd.s32 v11, v2;
	vm6 =	vgt.f32 v14, $-1.000000010e-01;
	v19 =	vld [tilespmem:$0x100]  }
0x5c: {  	v11 =	vsel vm7, $0x1B, v0;
	v18 =	vadd.s32 v18, v3;
	v2 =	vld [tilespmem:$0x120];
	vm7 =	vgt.f32 v8, $-1.000000010e-01  }
0x5d: {  	v20 =	vsel vm3, $0x1B, v0;
	v10 =	vadd.s32 v10, v18;
	vm1 =	vgt.f32 v17, $-1.000000010e-01;
	v3 =	vld [tilespmem:$0x130]  }
0x5e: {  	v18 =	vsel vm2, $0x51, v0;
	v10 =	vadd.s32 v20, v10;
	vm8 =	vgt.f32 v17, $1.000000010e-01  }
0x5f: {  	vm10 =	vgt.f32 v9, $-1.000000010e-01;
	v11 =	vadd.s32 v11, v10;
	vm2 =	vgt.f32 v5, $-1.000000010e-01  }
0x60: {  	vm12 =	vgt.f32 v6, $1.000000010e-01;
	v17 =	vsel vm0, $0x51, v0;
	vm3 =	vgt.f32 v19, $-1.000000010e-01  }
0x61: {  	v6 =	vsel vm11, $0x9, v0;
	vm11 =	vgt.f32 v4, $1.000000010e-01;
	vm5 =	vgt.f32 v5, $1.000000010e-01  }
0x62: {  	v4 =	vsel vm4, $0xF3, v0;
	v5 =	vadd.s32 v6, v7;
	vm0 =	vgt.f32 v2, $1.000000010e-01  }
0x63: {  	vm13 =	vgt.f32 v12, $1.000000010e-01;
	vm4 =	vgt.f32 v19, $1.000000010e-01;
	v6 =	vadd.s32 v16, v5  }
0x64: {  	v7 =	vsel vm12, $0x1B, v0;
	vm12 =	vgt.f32 v8, $1.000000010e-01;
	v5 =	vsel vm13, $0x2D9, v0  }
0x65: {  	v7 =	vadd.s32 v7, v6;
	v6 =	vsel vm9, $0x2D9, v0;
	vm9 =	vgt.f32 v1, $1.000000010e-01  }
0x66: {  	v10 =	vsel vm11, $0xF3, v0;
	vm13 =	vgt.f32 v14, $1.000000010e-01;
	v7 =	vadd.s32 v15, v7  }
.Ltmp1:
0x67: {  	vm11 =	vgt.f32 v13, $1.000000010e-01;
	v8 =	vadd.s32 v18, v7;
	v7 =	vsel vm12, $0x88B, v0;
	(pc) =	sbr.rel @p0 .LBB2_1-.Ltmp1, $4  }
0x68: {  	v9 =	vsel vm10, $0x51, v0;
	v12 =	vsel vm6, $0xF3, v0;
	v13 =	vsel vm13, $0xF3, v0  }
0x69: {  	v14 =	vsel vm11, $0x51, v0;
	v9 =	vadd.s32 v9, v8;
	v8 =	vsel vm7, $0x88B, v0  }
0x6a: {  	v14 =	vadd.s32 v14, v11;
	v13 =	vadd.s32 v13, v9;
	v9 =	vsel vm9, $0x19A1, v0  }
0x6b: {  	v11 =	vsel vm8, $0x2D9, v0;
	v12 =	vadd.s32 v12, v13;
	v13 =	vadd.s32 v17, v14  }
.LBB2_2:
0x6c: {  	v14 =	vsel vm1, $0x2D9, v0  }
0x6d: {  	vm13 =	vgt.f32 v2, $-1.000000010e-01;
	vm6 =	vgt.f32 v3, $1.000000010e-01;
	v53 =	vsel vm5, $0x88B, v0  }
0x6e: {  	vm14 =	vgt.f32 v1, $-1.000000010e-01;
	v54 =	vadd.s32 v10, v13;
	v55 =	vsel vm2, $0x88B, v0  }
0x6f: {  	v56 =	vsel vm3, $0x19A1, v0;
	v57 =	vadd.s32 v11, v12;
	v1 =	vadd.s32 v4, v54  }
0x70: {  	v58 =	vsel vm4, $0x19A1, v0;
	v4 =	vadd.s32 v14, v57;
	v1 =	vadd.s32 v5, v1  }
0x71: {  	vm15 =	vgt.f32 v3, $-1.000000010e-01;
	v2 =	vadd.s32 v53, v4;
	v1 =	vadd.s32 v6, v1  }
0x72: {  	v61 =	vsel vm0, $0x4CE3, v0;
	v2 =	vadd.s32 v55, v2;
	v1 =	vadd.s32 v7, v1  }
0x73: {  	v59 =	vsel vm14, $0x19A1, v0;
	v2 =	vadd.s32 v58, v2;
	v1 =	vadd.s32 v8, v1  }
0x74: {  	v60 =	vsel vm6, $0x4CE3, v0;
	v2 =	vadd.s32 v56, v2;
	v1 =	vadd.s32 v9, v1  }
0x75: {  	v62 =	vsel vm13, $0x4CE3, v0;
	v2 =	vadd.s32 v61, v2;
	v1 =	vadd.s32 v59, v1  }
0x76: {  	v63 =	vsel vm15, $0x4CE3, v0;
	v2 =	vadd.s32 v62, v2;
	v1 =	vadd.s32 v60, v1  }
0x77: {  	[tilespmem:$0x180] =	vst v2;
	v0 =	vadd.s32 v63, v1  }
0x78: {  	[tilespmem:$0x190] =	vst v0  }
0x79: {  	[tilespmem:s9], [sflag:$0x1] =	stream.indirect.gather [hbm4b:s2+s7], $0x80, s8, s7, $0xb8;
	[tilespmem:$0x1200] =	vst v63  }
0x7a: {  	_ =	swait.ge [sflag:s10], $0x1000  }
0x7b: {  	[sflag:s10] =	ssyncset.done $0x0  }
0x7c: {  	[sflag:s10] =	ssyncadd.s32 $0xFFFFF000  }
0x7d: {  	[hbm4b:s6+s3] =	stream.linear.scatter [tilespmem:s9], [sflag:$0x2], $0x1000, $0x38;
	[tilespmem:$0x1200] =	vst v63  }
0x7e: {  	_ =	swait.ge [sflag:s4], $0x1000  }
0x7f: {  	[sflag:s4] =	ssyncset.done $0x0  }
0x80: {  	[sflag:s4] =	ssyncadd.s32 $0xFFFFF000  }
0x81: {  	_ =	sfence.sel $0x180000  }
0x82: {  	[bflag:$0x0] =	sbarrier.arrive $0xFFFF  }
0x83: {  	p0 =	sne.s32 s0, $0x0;
	_ =	strace $0x90000047  }
0x84: {  	s0 =	sadd.s32 @!p0 $0x100000, s1;
	[bflag:$0x2] =	sbarrier.arrive $0xFFFF  }
0x85: {  	[sflag:s0] =	ssyncadd.tile.s32 @!p0 $0x1;
	_ =	shalt  }
.Lfunc_end2:
_tile_overlayer_lowered:
.L_overlay_start_2:
0x86: {  	(tag) =	ssettag $0x2  }
0x87: {  	s0 =	rddreg [dreg:$0x0];
	s2 =	stileid.u32  }
0x88: {  	s1 =	rddreg [dreg:$0x1];
	p0 =	sne.s32 s2, $0x0  }
0x89: {  	s3 =	rddreg [dreg:$0x2];
	[bflag:$0x3] =	sbarrier.arrive $0xFFFF;
	s2 =	simm.s32 @!p0 $0x1C02  }
0x8a: {  	[timem:s3], [sflag:s2] =	dma.local @!p0 [hbm:s0], s1  }
0x8b: {  	s0 =	simm.s32 @!p0 $0x2  }
0x8c: {  	_ =	swait.ge @!p0 [sflag:s0], s1  }
0x8d: {  	s1 =	ssub.s32 @!p0 $0x0, s1;
	[sflag:s0] =	ssyncset.done @!p0 $0x0  }
0x8e: {  	[sflag:s0] =	ssyncadd.s32 @!p0 s1  }
0x8f: {  	[bflag:$0x3] =	sbarrier.arrive $0xFFFF  }
0x90: {  	_ =	shalt  }

</sc_bundles>
